<compile_context>
chip_gen: v7x
topology: tpu7x:2x2x1
jax: 0.10.2.dev20260603
libtpu: 0.0.44.dev20260713+nightly
codegen_flags: <defaults>
</compile_context>

<pallas_src>
import functools

import jax
import jax.numpy as jnp
from jax import lax
from jax.experimental import pallas as pl
from jax.experimental.pallas import tpu as pltpu
from jax.experimental.pallas import tpu_sc as plsc

N_OCT = 8
N_CHR = 12
D_HALF = 128
D_PROJ = 512
V_PAD = 128
SCALE = float(D_PROJ ** 0.5)

NC = 2
NS = 16
NW = NC * NS
L = 16

B_TOTAL = 1024 * 200
B_PER_W = B_TOTAL // NW


def _build_table_body(oct_lut_ref, chr_lut_ref, oct_tab_ref, chr_tab_ref,
                      w_ref, f_ref):
    oct_ids = oct_lut_ref[...]
    chr_ids = chr_lut_ref[...]
    iota16 = lax.broadcasted_iota(jnp.int32, (V_PAD, 16), 1)
    oh_oct = (oct_ids == iota16).astype(jnp.float32)
    oh_chr = (chr_ids == iota16).astype(jnp.float32)
    emb_oct = jnp.dot(oh_oct, oct_tab_ref[...],
                      preferred_element_type=jnp.float32)
    emb_chr = jnp.dot(oh_chr, chr_tab_ref[...],
                      preferred_element_type=jnp.float32)
    emb = jnp.concatenate([emb_oct, emb_chr], axis=1)
    f_ref[...] = jnp.dot(emb, w_ref[...],
                         preferred_element_type=jnp.float32) * SCALE


def _build_table(oct_lut, chr_lut, octave_table, chroma_table, w_proj):
    oct_lut_p = jnp.concatenate(
        [oct_lut, jnp.full((V_PAD - oct_lut.shape[0],), N_OCT, jnp.int32)]
    ).reshape(V_PAD, 1)
    chr_lut_p = jnp.concatenate(
        [chr_lut, jnp.full((V_PAD - chr_lut.shape[0],), N_CHR, jnp.int32)]
    ).reshape(V_PAD, 1)
    oct_tab_p = jnp.zeros((16, D_HALF), jnp.float32).at[:N_OCT + 1].set(octave_table)
    chr_tab_p = jnp.zeros((16, D_HALF), jnp.float32).at[:N_CHR + 1].set(chroma_table)
    return pl.pallas_call(
        _build_table_body,
        out_shape=jax.ShapeDtypeStruct((V_PAD, D_PROJ), jnp.float32),
    )(oct_lut_p, chr_lut_p, oct_tab_p, chr_tab_p, w_proj)


@functools.partial(
    pl.kernel,
    out_type=jax.ShapeDtypeStruct((B_TOTAL * D_PROJ,), jnp.float32),
    mesh=plsc.VectorSubcoreMesh(core_axis_name="c", subcore_axis_name="s"),
    compiler_params=pltpu.CompilerParams(needs_layout_passes=False),
    scratch_types=[
        pltpu.VMEM((V_PAD * D_PROJ,), jnp.float32),
        pltpu.VMEM((B_PER_W,), jnp.int32),
        pltpu.SemaphoreType.DMA,
    ],
)
def _sc_gather(tok_hbm, f_hbm, out_hbm, f_v, tok_v, sem):
    wid = lax.axis_index("s") * NC + lax.axis_index("c")
    base = wid * B_PER_W
    pltpu.sync_copy(f_hbm, f_v)
    pltpu.sync_copy(tok_hbm.at[pl.ds(base, B_PER_W)], tok_v)

    @plsc.parallel_loop(0, B_PER_W // L)
    def _(g):
        tvec = tok_v[pl.ds(g * L, L)]
        for l in range(L):
            t = tvec[l]
            pltpu.async_copy(
                f_v.at[pl.ds(t * D_PROJ, D_PROJ)],
                out_hbm.at[pl.ds((base + g * L + l) * D_PROJ, D_PROJ)],
                sem,
            )

    @pl.loop(0, B_PER_W // 64)
    def _(d):
        blk = out_hbm.at[pl.ds((base + d * 64) * D_PROJ, 64 * D_PROJ)]
        pltpu.make_async_copy(f_v.at[pl.ds(0, 64 * D_PROJ)], blk, sem).wait()


def kernel(inp_tokens, octave_table, chroma_table, W_proj, oct_lut, chr_lut):
    f = _build_table(oct_lut, chr_lut, octave_table, chroma_table, W_proj)
    toks = inp_tokens.reshape(-1)
    out = _sc_gather(toks, f.reshape(-1))
    return out.reshape(inp_tokens.shape[0], inp_tokens.shape[1], D_PROJ)

# --- scband reference (transcript-rebuilt; emitter-appended) ---
"""Pipeline reference for scband-octave-aware-pitch-embedding-36455682408474 (READ-ONLY COPY).

The authoritative reference and input builder live on the scoring server;
editing this copy changes nothing except your own understanding.
"""

import jax, jax.numpy as jnp
import numpy as np

N_OCTAVE = 8
N_CHROMA = 12
MIN_PITCH = 12
D_EMBED = 256
D_PROJ = 512
EMB_SCALE = float(D_PROJ ** 0.5)


def _build_luts():
    idx2event = {i: 'Note_Pitch_%d' % (MIN_PITCH + i) for i in range(96)}
    extras = ['Bar_None', 'Beat_0', 'Beat_4', 'Beat_8', 'Beat_12', 'Tempo_120', 'Note_Velocity_64', 'Note_Duration_480']
    for j, ev in enumerate(extras):
        idx2event[96 + j] = ev
    # module appends PAD_None at index len(idx2event)
    idx2event[len(idx2event)] = 'PAD_None'
    V = len(idx2event)
    oct_lut = np.zeros(V, dtype=np.int32)
    chr_lut = np.zeros(V, dtype=np.int32)
    for idx, ev in idx2event.items():
        if 'Note_Pitch' not in ev:
            oct_lut[idx] = N_OCTAVE
            chr_lut[idx] = N_CHROMA
        else:
            p = int(ev.split('_')[-1]) - MIN_PITCH
            oct_lut[idx] = p // N_CHROMA
            chr_lut[idx] = p % N_CHROMA
    return jnp.asarray(oct_lut), jnp.asarray(chr_lut), V


def setup_inputs(seed: int = 0) -> dict:
    key = jax.random.key(seed)
    k1, k2, k3, k4 = jax.random.split(key, 4)
    oct_lut, chr_lut, V = _build_luts()
    inp_tokens = jax.random.randint(k1, (1024, 200), 0, V, dtype=jnp.int32)
    octave_table = jax.random.normal(k2, (N_OCTAVE + 1, D_EMBED // 2), dtype=jnp.float32)
    octave_table = octave_table.at[N_OCTAVE].set(0.0)  # padding_idx row
    chroma_table = jax.random.normal(k3, (N_CHROMA + 1, D_EMBED // 2), dtype=jnp.float32)
    chroma_table = chroma_table.at[N_CHROMA].set(0.0)  # padding_idx row
    W_proj = jax.random.normal(k4, (D_EMBED, D_PROJ), dtype=jnp.float32) / np.sqrt(D_EMBED)
    return {
        'inp_tokens': inp_tokens,
        'octave_table': octave_table,
        'chroma_table': chroma_table,
        'W_proj': W_proj,
        'oct_lut': oct_lut,
        'chr_lut': chr_lut,
    }


def reference(inp_tokens, octave_table, chroma_table, W_proj, oct_lut, chr_lut):
    # token-id -> (octave-id, chroma-id) translation (replaces cpu apply_ dict lookup)
    octave_tokens = jnp.take(oct_lut, inp_tokens, axis=0)
    chroma_tokens = jnp.take(chr_lut, inp_tokens, axis=0)
    octave_emb = jnp.take(octave_table, octave_tokens, axis=0)
    chroma_emb = jnp.take(chroma_table, chroma_tokens, axis=0)
    inp_emb = jnp.concatenate([octave_emb, chroma_emb], axis=-1)
    inp_emb = inp_emb @ W_proj  # d_proj != d_embed -> projection active
    return inp_emb * EMB_SCALE

if __name__ == "__main__":
    import jax
    _d = setup_inputs()
    print(jax.jit(kernel)(*tuple(_d.values())))

</pallas_src>

<mosaic_0001>
#map = affine_map<(d0, d1) -> (0)>
module attributes {stable_mosaic.version = 14 : i64} {
  func.func @_sc_gather(%arg0: i32, %arg1: i32, %arg2: memref<204800xi32, #tpu.memory_space<hbm>>, %arg3: memref<65536xf32, #tpu.memory_space<hbm>>, %arg4: memref<104857600xf32, #tpu.memory_space<hbm>>, %arg5: memref<65536xf32, #tpu.memory_space<vmem>>, %arg6: memref<6400xi32, #tpu.memory_space<vmem>>, %arg7: memref<!tpu.dma_semaphore, #tpu.memory_space<semaphore_mem>>) attributes {dimension_semantics = [#tpu.dimension_semantics<core_parallel>, #tpu.dimension_semantics<subcore_parallel>], iteration_bounds = array<i64: 2, 16>, scalar_prefetch = 0 : i64, scratch_operands = 3 : i64, tpu.core_type = #tpu.core_type<sc_vector_subcore>, window_params = [{transform_indices = #map}, {transform_indices = #map}, {transform_indices = #map}]} {
    %mul3A = arith.constant 2 : i32
    %mul3A_0 = arith.muli %arg1, %mul3A : i32
    %add3A = arith.addi %mul3A_0, %arg0 : i32
    %mul3A_1 = arith.constant 6400 : i32
    %mul3A_2 = arith.muli %add3A, %mul3A_1 : i32
    "tpu.region"() ({
      %run_scoped3A = tpu.sem_alloc : memref<!tpu.dma_semaphore, #tpu.memory_space<semaphore_mem>>
      tpu.enqueue_dma source(%arg3 : memref<65536xf32, #tpu.memory_space<hbm>>) target(%arg5 : memref<65536xf32, #tpu.memory_space<vmem>>) target_semaphore(%run_scoped3A : memref<!tpu.dma_semaphore, #tpu.memory_space<semaphore_mem>>)
      tpu.wait_dma2 semaphore(%run_scoped3A : memref<!tpu.dma_semaphore, #tpu.memory_space<semaphore_mem>>) src(%arg3 : memref<65536xf32, #tpu.memory_space<hbm>>) dst(%arg5 : memref<65536xf32, #tpu.memory_space<vmem>>)
      tpu.yield
    }) : () -> ()
    "tpu.region"() ({
      %run_scoped3A = tpu.sem_alloc : memref<!tpu.dma_semaphore, #tpu.memory_space<semaphore_mem>>
      %dma_start3A = tpu.memref_slice %arg2[%mul3A_2] : memref<204800xi32, #tpu.memory_space<hbm>> -> memref<6400xi32, #tpu.memory_space<hbm>>
      %dma_start3A_9 = tpu.memref_slice %arg2[%mul3A_2] : memref<204800xi32, #tpu.memory_space<hbm>> -> memref<6400xi32, #tpu.memory_space<hbm>>
      tpu.enqueue_dma source(%dma_start3A_9 : memref<6400xi32, #tpu.memory_space<hbm>>) target(%arg6 : memref<6400xi32, #tpu.memory_space<vmem>>) target_semaphore(%run_scoped3A : memref<!tpu.dma_semaphore, #tpu.memory_space<semaphore_mem>>)
      %dma_wait3A = tpu.memref_slice %arg2[%mul3A_2] : memref<204800xi32, #tpu.memory_space<hbm>> -> memref<6400xi32, #tpu.memory_space<hbm>>
      %dma_wait3A_10 = tpu.memref_slice %arg2[%mul3A_2] : memref<204800xi32, #tpu.memory_space<hbm>> -> memref<6400xi32, #tpu.memory_space<hbm>>
      tpu.wait_dma2 semaphore(%run_scoped3A : memref<!tpu.dma_semaphore, #tpu.memory_space<semaphore_mem>>) src(%dma_wait3A_10 : memref<6400xi32, #tpu.memory_space<hbm>>) dst(%arg6 : memref<6400xi32, #tpu.memory_space<vmem>>)
      tpu.yield
    }) : () -> ()
    %parallel_loop3A = arith.constant 0 : i32
    %parallel_loop3A_3 = arith.constant 400 : i32
    %parallel_loop3A_4 = arith.constant 1 : i32
    scf.for %parallel_loop3A_9 = %parallel_loop3A to %parallel_loop3A_3 step %parallel_loop3A_4  : i32 {
      %parallel_loop3A_10 = arith.constant 16 : i32
      %parallel_loop3A_11 = arith.muli %parallel_loop3A_9, %parallel_loop3A_10 : i32
      %parallel_loop3A_12 = arith.index_cast %parallel_loop3A_11 : i32 to index
      %parallel_loop3A_13 = tpu.vector_load %arg6[%parallel_loop3A_12] {strides = array<i32>} : memref<6400xi32, #tpu.memory_space<vmem>>, vector<16xi32>,
      %parallel_loop3A_14 = vector.extract_strided_slice %parallel_loop3A_13 {offsets = [0], sizes = [1], strides = [1]} : vector<16xi32> to vector<1xi32>
      %parallel_loop3A_15 = vector.extract %parallel_loop3A_14[0] : i32 from vector<1xi32>
      %parallel_loop3A_16 = arith.constant 512 : i32
      %parallel_loop3A_17 = arith.muli %parallel_loop3A_15, %parallel_loop3A_16 : i32
      %parallel_loop3A_18 = arith.constant 16 : i32
      %parallel_loop3A_19 = arith.muli %parallel_loop3A_9, %parallel_loop3A_18 : i32
      %parallel_loop3A_20 = arith.addi %mul3A_2, %parallel_loop3A_19 : i32
      %parallel_loop3A_21 = arith.constant 0 : i32
      %parallel_loop3A_22 = arith.addi %parallel_loop3A_20, %parallel_loop3A_21 : i32
      %parallel_loop3A_23 = arith.constant 512 : i32
      %parallel_loop3A_24 = arith.muli %parallel_loop3A_22, %parallel_loop3A_23 : i32
      %parallel_loop3A_25 = tpu.memref_slice %arg5[%parallel_loop3A_17] : memref<65536xf32, #tpu.memory_space<vmem>> -> memref<512xf32, #tpu.memory_space<vmem>>
      %parallel_loop3A_26 = tpu.memref_slice %arg4[%parallel_loop3A_24] : memref<104857600xf32, #tpu.memory_space<hbm>> -> memref<512xf32, #tpu.memory_space<hbm>>
      %parallel_loop3A_27 = tpu.memref_slice %arg4[%parallel_loop3A_24] : memref<104857600xf32, #tpu.memory_space<hbm>> -> memref<512xf32, #tpu.memory_space<hbm>>
      %parallel_loop3A_28 = tpu.memref_slice %arg5[%parallel_loop3A_17] : memref<65536xf32, #tpu.memory_space<vmem>> -> memref<512xf32, #tpu.memory_space<vmem>>
      tpu.enqueue_dma source(%parallel_loop3A_28 : memref<512xf32, #tpu.memory_space<vmem>>) target(%parallel_loop3A_27 : memref<512xf32, #tpu.memory_space<hbm>>) target_semaphore(%arg7 : memref<!tpu.dma_semaphore, #tpu.memory_space<semaphore_mem>>)
      %parallel_loop3A_29 = vector.extract_strided_slice %parallel_loop3A_13 {offsets = [1], sizes = [1], strides = [1]} : vector<16xi32> to vector<1xi32>
      %parallel_loop3A_30 = vector.extract %parallel_loop3A_29[0] : i32 from vector<1xi32>
      %parallel_loop3A_31 = arith.constant 512 : i32
      %parallel_loop3A_32 = arith.muli %parallel_loop3A_30, %parallel_loop3A_31 : i32
      %parallel_loop3A_33 = arith.constant 16 : i32
      %parallel_loop3A_34 = arith.muli %parallel_loop3A_9, %parallel_loop3A_33 : i32
      %parallel_loop3A_35 = arith.addi %mul3A_2, %parallel_loop3A_34 : i32
      %parallel_loop3A_36 = arith.constant 1 : i32
      %parallel_loop3A_37 = arith.addi %parallel_loop3A_35, %parallel_loop3A_36 : i32
      %parallel_loop3A_38 = arith.constant 512 : i32
      %parallel_loop3A_39 = arith.muli %parallel_loop3A_37, %parallel_loop3A_38 : i32
      %parallel_loop3A_40 = tpu.memref_slice %arg5[%parallel_loop3A_32] : memref<65536xf32, #tpu.memory_space<vmem>> -> memref<512xf32, #tpu.memory_space<vmem>>
      %parallel_loop3A_41 = tpu.memref_slice %arg4[%parallel_loop3A_39] : memref<104857600xf32, #tpu.memory_space<hbm>> -> memref<512xf32, #tpu.memory_space<hbm>>
      %parallel_loop3A_42 = tpu.memref_slice %arg4[%parallel_loop3A_39] : memref<104857600xf32, #tpu.memory_space<hbm>> -> memref<512xf32, #tpu.memory_space<hbm>>
      %parallel_loop3A_43 = tpu.memref_slice %arg5[%parallel_loop3A_32] : memref<65536xf32, #tpu.memory_space<vmem>> -> memref<512xf32, #tpu.memory_space<vmem>>
      tpu.enqueue_dma source(%parallel_loop3A_43 : memref<512xf32, #tpu.memory_space<vmem>>) target(%parallel_loop3A_42 : memref<512xf32, #tpu.memory_space<hbm>>) target_semaphore(%arg7 : memref<!tpu.dma_semaphore, #tpu.memory_space<semaphore_mem>>)
      %parallel_loop3A_44 = vector.extract_strided_slice %parallel_loop3A_13 {offsets = [2], sizes = [1], strides = [1]} : vector<16xi32> to vector<1xi32>
      %parallel_loop3A_45 = vector.extract %parallel_loop3A_44[0] : i32 from vector<1xi32>
      %parallel_loop3A_46 = arith.constant 512 : i32
      %parallel_loop3A_47 = arith.muli %parallel_loop3A_45, %parallel_loop3A_46 : i32
      %parallel_loop3A_48 = arith.constant 16 : i32
      %parallel_loop3A_49 = arith.muli %parallel_loop3A_9, %parallel_loop3A_48 : i32
      %parallel_loop3A_50 = arith.addi %mul3A_2, %parallel_loop3A_49 : i32
      %parallel_loop3A_51 = arith.constant 2 : i32
      %parallel_loop3A_52 = arith.addi %parallel_loop3A_50, %parallel_loop3A_51 : i32
      %parallel_loop3A_53 = arith.constant 512 : i32
      %parallel_loop3A_54 = arith.muli %parallel_loop3A_52, %parallel_loop3A_53 : i32
      %parallel_loop3A_55 = tpu.memref_slice %arg5[%parallel_loop3A_47] : memref<65536xf32, #tpu.memory_space<vmem>> -> memref<512xf32, #tpu.memory_space<vmem>>
      %parallel_loop3A_56 = tpu.memref_slice %arg4[%parallel_loop3A_54] : memref<104857600xf32, #tpu.memory_space<hbm>> -> memref<512xf32, #tpu.memory_space<hbm>>
      %parallel_loop3A_57 = tpu.memref_slice %arg4[%parallel_loop3A_54] : memref<104857600xf32, #tpu.memory_space<hbm>> -> memref<512xf32, #tpu.memory_space<hbm>>
      %parallel_loop3A_58 = tpu.memref_slice %arg5[%parallel_loop3A_47] : memref<65536xf32, #tpu.memory_space<vmem>> -> memref<512xf32, #tpu.memory_space<vmem>>
      tpu.enqueue_dma source(%parallel_loop3A_58 : memref<512xf32, #tpu.memory_space<vmem>>) target(%parallel_loop3A_57 : memref<512xf32, #tpu.memory_space<hbm>>) target_semaphore(%arg7 : memref<!tpu.dma_semaphore, #tpu.memory_space<semaphore_mem>>)
      %parallel_loop3A_59 = vector.extract_strided_slice %parallel_loop3A_13 {offsets = [3], sizes = [1], strides = [1]} : vector<16xi32> to vector<1xi32>
      %parallel_loop3A_60 = vector.extract %parallel_loop3A_59[0] : i32 from vector<1xi32>
      %parallel_loop3A_61 = arith.constant 512 : i32
      %parallel_loop3A_62 = arith.muli %parallel_loop3A_60, %parallel_loop3A_61 : i32
      %parallel_loop3A_63 = arith.constant 16 : i32
      %parallel_loop3A_64 = arith.muli %parallel_loop3A_9, %parallel_loop3A_63 : i32
      %parallel_loop3A_65 = arith.addi %mul3A_2, %parallel_loop3A_64 : i32
      %parallel_loop3A_66 = arith.constant 3 : i32
      %parallel_loop3A_67 = arith.addi %parallel_loop3A_65, %parallel_loop3A_66 : i32
      %parallel_loop3A_68 = arith.constant 512 : i32
      %parallel_loop3A_69 = arith.muli %parallel_loop3A_67, %parallel_loop3A_68 : i32
      %parallel_loop3A_70 = tpu.memref_slice %arg5[%parallel_loop3A_62] : memref<65536xf32, #tpu.memory_space<vmem>> -> memref<512xf32, #tpu.memory_space<vmem>>
      %parallel_loop3A_71 = tpu.memref_slice %arg4[%parallel_loop3A_69] : memref<104857600xf32, #tpu.memory_space<hbm>> -> memref<512xf32, #tpu.memory_space<hbm>>
      %parallel_loop3A_72 = tpu.memref_slice %arg4[%parallel_loop3A_69] : memref<104857600xf32, #tpu.memory_space<hbm>> -> memref<512xf32, #tpu.memory_space<hbm>>
      %parallel_loop3A_73 = tpu.memref_slice %arg5[%parallel_loop3A_62] : memref<65536xf32, #tpu.memory_space<vmem>> -> memref<512xf32, #tpu.memory_space<vmem>>
      tpu.enqueue_dma source(%parallel_loop3A_73 : memref<512xf32, #tpu.memory_space<vmem>>) target(%parallel_loop3A_72 : memref<512xf32, #tpu.memory_space<hbm>>) target_semaphore(%arg7 : memref<!tpu.dma_semaphore, #tpu.memory_space<semaphore_mem>>)
      %parallel_loop3A_74 = vector.extract_strided_slice %parallel_loop3A_13 {offsets = [4], sizes = [1], strides = [1]} : vector<16xi32> to vector<1xi32>
      %parallel_loop3A_75 = vector.extract %parallel_loop3A_74[0] : i32 from vector<1xi32>
      %parallel_loop3A_76 = arith.constant 512 : i32
      %parallel_loop3A_77 = arith.muli %parallel_loop3A_75, %parallel_loop3A_76 : i32
      %parallel_loop3A_78 = arith.constant 16 : i32
      %parallel_loop3A_79 = arith.muli %parallel_loop3A_9, %parallel_loop3A_78 : i32
      %parallel_loop3A_80 = arith.addi %mul3A_2, %parallel_loop3A_79 : i32
      %parallel_loop3A_81 = arith.constant 4 : i32
      %parallel_loop3A_82 = arith.addi %parallel_loop3A_80, %parallel_loop3A_81 : i32
      %parallel_loop3A_83 = arith.constant 512 : i32
      %parallel_loop3A_84 = arith.muli %parallel_loop3A_82, %parallel_loop3A_83 : i32
      %parallel_loop3A_85 = tpu.memref_slice %arg5[%parallel_loop3A_77] : memref<65536xf32, #tpu.memory_space<vmem>> -> memref<512xf32, #tpu.memory_space<vmem>>
      %parallel_loop3A_86 = tpu.memref_slice %arg4[%parallel_loop3A_84] : memref<104857600xf32, #tpu.memory_space<hbm>> -> memref<512xf32, #tpu.memory_space<hbm>>
      %parallel_loop3A_87 = tpu.memref_slice %arg4[%parallel_loop3A_84] : memref<104857600xf32, #tpu.memory_space<hbm>> -> memref<512xf32, #tpu.memory_space<hbm>>
      %parallel_loop3A_88 = tpu.memref_slice %arg5[%parallel_loop3A_77] : memref<65536xf32, #tpu.memory_space<vmem>> -> memref<512xf32, #tpu.memory_space<vmem>>
      tpu.enqueue_dma source(%parallel_loop3A_88 : memref<512xf32, #tpu.memory_space<vmem>>) target(%parallel_loop3A_87 : memref<512xf32, #tpu.memory_space<hbm>>) target_semaphore(%arg7 : memref<!tpu.dma_semaphore, #tpu.memory_space<semaphore_mem>>)
      %parallel_loop3A_89 = vector.extract_strided_slice %parallel_loop3A_13 {offsets = [5], sizes = [1], strides = [1]} : vector<16xi32> to vector<1xi32>
      %parallel_loop3A_90 = vector.extract %parallel_loop3A_89[0] : i32 from vector<1xi32>
      %parallel_loop3A_91 = arith.constant 512 : i32
      %parallel_loop3A_92 = arith.muli %parallel_loop3A_90, %parallel_loop3A_91 : i32
      %parallel_loop3A_93 = arith.constant 16 : i32
      %parallel_loop3A_94 = arith.muli %parallel_loop3A_9, %parallel_loop3A_93 : i32
      %parallel_loop3A_95 = arith.addi %mul3A_2, %parallel_loop3A_94 : i32
      %parallel_loop3A_96 = arith.constant 5 : i32
      %parallel_loop3A_97 = arith.addi %parallel_loop3A_95, %parallel_loop3A_96 : i32
      %parallel_loop3A_98 = arith.constant 512 : i32
      %parallel_loop3A_99 = arith.muli %parallel_loop3A_97, %parallel_loop3A_98 : i32
      %parallel_loop3A_100 = tpu.memref_slice %arg5[%parallel_loop3A_92] : memref<65536xf32, #tpu.memory_space<vmem>> -> memref<512xf32, #tpu.memory_space<vmem>>
      %parallel_loop3A_101 = tpu.memref_slice %arg4[%parallel_loop3A_99] : memref<104857600xf32, #tpu.memory_space<hbm>> -> memref<512xf32, #tpu.memory_space<hbm>>
      %parallel_loop3A_102 = tpu.memref_slice %arg4[%parallel_loop3A_99] : memref<104857600xf32, #tpu.memory_space<hbm>> -> memref<512xf32, #tpu.memory_space<hbm>>
      %parallel_loop3A_103 = tpu.memref_slice %arg5[%parallel_loop3A_92] : memref<65536xf32, #tpu.memory_space<vmem>> -> memref<512xf32, #tpu.memory_space<vmem>>
      tpu.enqueue_dma source(%parallel_loop3A_103 : memref<512xf32, #tpu.memory_space<vmem>>) target(%parallel_loop3A_102 : memref<512xf32, #tpu.memory_space<hbm>>) target_semaphore(%arg7 : memref<!tpu.dma_semaphore, #tpu.memory_space<semaphore_mem>>)
      %parallel_loop3A_104 = vector.extract_strided_slice %parallel_loop3A_13 {offsets = [6], sizes = [1], strides = [1]} : vector<16xi32> to vector<1xi32>
      %parallel_loop3A_105 = vector.extract %parallel_loop3A_104[0] : i32 from vector<1xi32>
      %parallel_loop3A_106 = arith.constant 512 : i32
      %parallel_loop3A_107 = arith.muli %parallel_loop3A_105, %parallel_loop3A_106 : i32
      %parallel_loop3A_108 = arith.constant 16 : i32
      %parallel_loop3A_109 = arith.muli %parallel_loop3A_9, %parallel_loop3A_108 : i32
      %parallel_loop3A_110 = arith.addi %mul3A_2, %parallel_loop3A_109 : i32
      %parallel_loop3A_111 = arith.constant 6 : i32
      %parallel_loop3A_112 = arith.addi %parallel_loop3A_110, %parallel_loop3A_111 : i32
      %parallel_loop3A_113 = arith.constant 512 : i32
      %parallel_loop3A_114 = arith.muli %parallel_loop3A_112, %parallel_loop3A_113 : i32
      %parallel_loop3A_115 = tpu.memref_slice %arg5[%parallel_loop3A_107] : memref<65536xf32, #tpu.memory_space<vmem>> -> memref<512xf32, #tpu.memory_space<vmem>>
      %parallel_loop3A_116 = tpu.memref_slice %arg4[%parallel_loop3A_114] : memref<104857600xf32, #tpu.memory_space<hbm>> -> memref<512xf32, #tpu.memory_space<hbm>>
      %parallel_loop3A_117 = tpu.memref_slice %arg4[%parallel_loop3A_114] : memref<104857600xf32, #tpu.memory_space<hbm>> -> memref<512xf32, #tpu.memory_space<hbm>>
      %parallel_loop3A_118 = tpu.memref_slice %arg5[%parallel_loop3A_107] : memref<65536xf32, #tpu.memory_space<vmem>> -> memref<512xf32, #tpu.memory_space<vmem>>
      tpu.enqueue_dma source(%parallel_loop3A_118 : memref<512xf32, #tpu.memory_space<vmem>>) target(%parallel_loop3A_117 : memref<512xf32, #tpu.memory_space<hbm>>) target_semaphore(%arg7 : memref<!tpu.dma_semaphore, #tpu.memory_space<semaphore_mem>>)
      %parallel_loop3A_119 = vector.extract_strided_slice %parallel_loop3A_13 {offsets = [7], sizes = [1], strides = [1]} : vector<16xi32> to vector<1xi32>
      %parallel_loop3A_120 = vector.extract %parallel_loop3A_119[0] : i32 from vector<1xi32>
      %parallel_loop3A_121 = arith.constant 512 : i32
      %parallel_loop3A_122 = arith.muli %parallel_loop3A_120, %parallel_loop3A_121 : i32
      %parallel_loop3A_123 = arith.constant 16 : i32
      %parallel_loop3A_124 = arith.muli %parallel_loop3A_9, %parallel_loop3A_123 : i32
      %parallel_loop3A_125 = arith.addi %mul3A_2, %parallel_loop3A_124 : i32
      %parallel_loop3A_126 = arith.constant 7 : i32
      %parallel_loop3A_127 = arith.addi %parallel_loop3A_125, %parallel_loop3A_126 : i32
      %parallel_loop3A_128 = arith.constant 512 : i32
      %parallel_loop3A_129 = arith.muli %parallel_loop3A_127, %parallel_loop3A_128 : i32
      %parallel_loop3A_130 = tpu.memref_slice %arg5[%parallel_loop3A_122] : memref<65536xf32, #tpu.memory_space<vmem>> -> memref<512xf32, #tpu.memory_space<vmem>>
      %parallel_loop3A_131 = tpu.memref_slice %arg4[%parallel_loop3A_129] : memref<104857600xf32, #tpu.memory_space<hbm>> -> memref<512xf32, #tpu.memory_space<hbm>>
      %parallel_loop3A_132 = tpu.memref_slice %arg4[%parallel_loop3A_129] : memref<104857600xf32, #tpu.memory_space<hbm>> -> memref<512xf32, #tpu.memory_space<hbm>>
      %parallel_loop3A_133 = tpu.memref_slice %arg5[%parallel_loop3A_122] : memref<65536xf32, #tpu.memory_space<vmem>> -> memref<512xf32, #tpu.memory_space<vmem>>
      tpu.enqueue_dma source(%parallel_loop3A_133 : memref<512xf32, #tpu.memory_space<vmem>>) target(%parallel_loop3A_132 : memref<512xf32, #tpu.memory_space<hbm>>) target_semaphore(%arg7 : memref<!tpu.dma_semaphore, #tpu.memory_space<semaphore_mem>>)
      %parallel_loop3A_134 = vector.extract_strided_slice %parallel_loop3A_13 {offsets = [8], sizes = [1], strides = [1]} : vector<16xi32> to vector<1xi32>
      %parallel_loop3A_135 = vector.extract %parallel_loop3A_134[0] : i32 from vector<1xi32>
      %parallel_loop3A_136 = arith.constant 512 : i32
      %parallel_loop3A_137 = arith.muli %parallel_loop3A_135, %parallel_loop3A_136 : i32
      %parallel_loop3A_138 = arith.constant 16 : i32
      %parallel_loop3A_139 = arith.muli %parallel_loop3A_9, %parallel_loop3A_138 : i32
      %parallel_loop3A_140 = arith.addi %mul3A_2, %parallel_loop3A_139 : i32
      %parallel_loop3A_141 = arith.constant 8 : i32
      %parallel_loop3A_142 = arith.addi %parallel_loop3A_140, %parallel_loop3A_141 : i32
      %parallel_loop3A_143 = arith.constant 512 : i32
      %parallel_loop3A_144 = arith.muli %parallel_loop3A_142, %parallel_loop3A_143 : i32
      %parallel_loop3A_145 = tpu.memref_slice %arg5[%parallel_loop3A_137] : memref<65536xf32, #tpu.memory_space<vmem>> -> memref<512xf32, #tpu.memory_space<vmem>>
      %parallel_loop3A_146 = tpu.memref_slice %arg4[%parallel_loop3A_144] : memref<104857600xf32, #tpu.memory_space<hbm>> -> memref<512xf32, #tpu.memory_space<hbm>>
      %parallel_loop3A_147 = tpu.memref_slice %arg4[%parallel_loop3A_144] : memref<104857600xf32, #tpu.memory_space<hbm>> -> memref<512xf32, #tpu.memory_space<hbm>>
      %parallel_loop3A_148 = tpu.memref_slice %arg5[%parallel_loop3A_137] : memref<65536xf32, #tpu.memory_space<vmem>> -> memref<512xf32, #tpu.memory_space<vmem>>
      tpu.enqueue_dma source(%parallel_loop3A_148 : memref<512xf32, #tpu.memory_space<vmem>>) target(%parallel_loop3A_147 : memref<512xf32, #tpu.memory_space<hbm>>) target_semaphore(%arg7 : memref<!tpu.dma_semaphore, #tpu.memory_space<semaphore_mem>>)
      %parallel_loop3A_149 = vector.extract_strided_slice %parallel_loop3A_13 {offsets = [9], sizes = [1], strides = [1]} : vector<16xi32> to vector<1xi32>
      %parallel_loop3A_150 = vector.extract %parallel_loop3A_149[0] : i32 from vector<1xi32>
      %parallel_loop3A_151 = arith.constant 512 : i32
      %parallel_loop3A_152 = arith.muli %parallel_loop3A_150, %parallel_loop3A_151 : i32
      %parallel_loop3A_153 = arith.constant 16 : i32
      %parallel_loop3A_154 = arith.muli %parallel_loop3A_9, %parallel_loop3A_153 : i32
      %parallel_loop3A_155 = arith.addi %mul3A_2, %parallel_loop3A_154 : i32
      %parallel_loop3A_156 = arith.constant 9 : i32
      %parallel_loop3A_157 = arith.addi %parallel_loop3A_155, %parallel_loop3A_156 : i32
      %parallel_loop3A_158 = arith.constant 512 : i32
      %parallel_loop3A_159 = arith.muli %parallel_loop3A_157, %parallel_loop3A_158 : i32
      %parallel_loop3A_160 = tpu.memref_slice %arg5[%parallel_loop3A_152] : memref<65536xf32, #tpu.memory_space<vmem>> -> memref<512xf32, #tpu.memory_space<vmem>>
      %parallel_loop3A_161 = tpu.memref_slice %arg4[%parallel_loop3A_159] : memref<104857600xf32, #tpu.memory_space<hbm>> -> memref<512xf32, #tpu.memory_space<hbm>>
      %parallel_loop3A_162 = tpu.memref_slice %arg4[%parallel_loop3A_159] : memref<104857600xf32, #tpu.memory_space<hbm>> -> memref<512xf32, #tpu.memory_space<hbm>>
      %parallel_loop3A_163 = tpu.memref_slice %arg5[%parallel_loop3A_152] : memref<65536xf32, #tpu.memory_space<vmem>> -> memref<512xf32, #tpu.memory_space<vmem>>
      tpu.enqueue_dma source(%parallel_loop3A_163 : memref<512xf32, #tpu.memory_space<vmem>>) target(%parallel_loop3A_162 : memref<512xf32, #tpu.memory_space<hbm>>) target_semaphore(%arg7 : memref<!tpu.dma_semaphore, #tpu.memory_space<semaphore_mem>>)
      %parallel_loop3A_164 = vector.extract_strided_slice %parallel_loop3A_13 {offsets = [10], sizes = [1], strides = [1]} : vector<16xi32> to vector<1xi32>
      %parallel_loop3A_165 = vector.extract %parallel_loop3A_164[0] : i32 from vector<1xi32>
      %parallel_loop3A_166 = arith.constant 512 : i32
      %parallel_loop3A_167 = arith.muli %parallel_loop3A_165, %parallel_loop3A_166 : i32
      %parallel_loop3A_168 = arith.constant 16 : i32
      %parallel_loop3A_169 = arith.muli %parallel_loop3A_9, %parallel_loop3A_168 : i32
      %parallel_loop3A_170 = arith.addi %mul3A_2, %parallel_loop3A_169 : i32
      %parallel_loop3A_171 = arith.constant 10 : i32
      %parallel_loop3A_172 = arith.addi %parallel_loop3A_170, %parallel_loop3A_171 : i32
      %parallel_loop3A_173 = arith.constant 512 : i32
      %parallel_loop3A_174 = arith.muli %parallel_loop3A_172, %parallel_loop3A_173 : i32
      %parallel_loop3A_175 = tpu.memref_slice %arg5[%parallel_loop3A_167] : memref<65536xf32, #tpu.memory_space<vmem>> -> memref<512xf32, #tpu.memory_space<vmem>>
      %parallel_loop3A_176 = tpu.memref_slice %arg4[%parallel_loop3A_174] : memref<104857600xf32, #tpu.memory_space<hbm>> -> memref<512xf32, #tpu.memory_space<hbm>>
      %parallel_loop3A_177 = tpu.memref_slice %arg4[%parallel_loop3A_174] : memref<104857600xf32, #tpu.memory_space<hbm>> -> memref<512xf32, #tpu.memory_space<hbm>>
      %parallel_loop3A_178 = tpu.memref_slice %arg5[%parallel_loop3A_167] : memref<65536xf32, #tpu.memory_space<vmem>> -> memref<512xf32, #tpu.memory_space<vmem>>
      tpu.enqueue_dma source(%parallel_loop3A_178 : memref<512xf32, #tpu.memory_space<vmem>>) target(%parallel_loop3A_177 : memref<512xf32, #tpu.memory_space<hbm>>) target_semaphore(%arg7 : memref<!tpu.dma_semaphore, #tpu.memory_space<semaphore_mem>>)
      %parallel_loop3A_179 = vector.extract_strided_slice %parallel_loop3A_13 {offsets = [11], sizes = [1], strides = [1]} : vector<16xi32> to vector<1xi32>
      %parallel_loop3A_180 = vector.extract %parallel_loop3A_179[0] : i32 from vector<1xi32>
      %parallel_loop3A_181 = arith.constant 512 : i32
      %parallel_loop3A_182 = arith.muli %parallel_loop3A_180, %parallel_loop3A_181 : i32
      %parallel_loop3A_183 = arith.constant 16 : i32
      %parallel_loop3A_184 = arith.muli %parallel_loop3A_9, %parallel_loop3A_183 : i32
      %parallel_loop3A_185 = arith.addi %mul3A_2, %parallel_loop3A_184 : i32
      %parallel_loop3A_186 = arith.constant 11 : i32
      %parallel_loop3A_187 = arith.addi %parallel_loop3A_185, %parallel_loop3A_186 : i32
      %parallel_loop3A_188 = arith.constant 512 : i32
      %parallel_loop3A_189 = arith.muli %parallel_loop3A_187, %parallel_loop3A_188 : i32
      %parallel_loop3A_190 = tpu.memref_slice %arg5[%parallel_loop3A_182] : memref<65536xf32, #tpu.memory_space<vmem>> -> memref<512xf32, #tpu.memory_space<vmem>>
      %parallel_loop3A_191 = tpu.memref_slice %arg4[%parallel_loop3A_189] : memref<104857600xf32, #tpu.memory_space<hbm>> -> memref<512xf32, #tpu.memory_space<hbm>>
      %parallel_loop3A_192 = tpu.memref_slice %arg4[%parallel_loop3A_189] : memref<104857600xf32, #tpu.memory_space<hbm>> -> memref<512xf32, #tpu.memory_space<hbm>>
      %parallel_loop3A_193 = tpu.memref_slice %arg5[%parallel_loop3A_182] : memref<65536xf32, #tpu.memory_space<vmem>> -> memref<512xf32, #tpu.memory_space<vmem>>
      tpu.enqueue_dma source(%parallel_loop3A_193 : memref<512xf32, #tpu.memory_space<vmem>>) target(%parallel_loop3A_192 : memref<512xf32, #tpu.memory_space<hbm>>) target_semaphore(%arg7 : memref<!tpu.dma_semaphore, #tpu.memory_space<semaphore_mem>>)
      %parallel_loop3A_194 = vector.extract_strided_slice %parallel_loop3A_13 {offsets = [12], sizes = [1], strides = [1]} : vector<16xi32> to vector<1xi32>
      %parallel_loop3A_195 = vector.extract %parallel_loop3A_194[0] : i32 from vector<1xi32>
      %parallel_loop3A_196 = arith.constant 512 : i32
      %parallel_loop3A_197 = arith.muli %parallel_loop3A_195, %parallel_loop3A_196 : i32
      %parallel_loop3A_198 = arith.constant 16 : i32
      %parallel_loop3A_199 = arith.muli %parallel_loop3A_9, %parallel_loop3A_198 : i32
      %parallel_loop3A_200 = arith.addi %mul3A_2, %parallel_loop3A_199 : i32
      %parallel_loop3A_201 = arith.constant 12 : i32
      %parallel_loop3A_202 = arith.addi %parallel_loop3A_200, %parallel_loop3A_201 : i32
      %parallel_loop3A_203 = arith.constant 512 : i32
      %parallel_loop3A_204 = arith.muli %parallel_loop3A_202, %parallel_loop3A_203 : i32
      %parallel_loop3A_205 = tpu.memref_slice %arg5[%parallel_loop3A_197] : memref<65536xf32, #tpu.memory_space<vmem>> -> memref<512xf32, #tpu.memory_space<vmem>>
      %parallel_loop3A_206 = tpu.memref_slice %arg4[%parallel_loop3A_204] : memref<104857600xf32, #tpu.memory_space<hbm>> -> memref<512xf32, #tpu.memory_space<hbm>>
      %parallel_loop3A_207 = tpu.memref_slice %arg4[%parallel_loop3A_204] : memref<104857600xf32, #tpu.memory_space<hbm>> -> memref<512xf32, #tpu.memory_space<hbm>>
      %parallel_loop3A_208 = tpu.memref_slice %arg5[%parallel_loop3A_197] : memref<65536xf32, #tpu.memory_space<vmem>> -> memref<512xf32, #tpu.memory_space<vmem>>
      tpu.enqueue_dma source(%parallel_loop3A_208 : memref<512xf32, #tpu.memory_space<vmem>>) target(%parallel_loop3A_207 : memref<512xf32, #tpu.memory_space<hbm>>) target_semaphore(%arg7 : memref<!tpu.dma_semaphore, #tpu.memory_space<semaphore_mem>>)
      %parallel_loop3A_209 = vector.extract_strided_slice %parallel_loop3A_13 {offsets = [13], sizes = [1], strides = [1]} : vector<16xi32> to vector<1xi32>
      %parallel_loop3A_210 = vector.extract %parallel_loop3A_209[0] : i32 from vector<1xi32>
      %parallel_loop3A_211 = arith.constant 512 : i32
      %parallel_loop3A_212 = arith.muli %parallel_loop3A_210, %parallel_loop3A_211 : i32
      %parallel_loop3A_213 = arith.constant 16 : i32
      %parallel_loop3A_214 = arith.muli %parallel_loop3A_9, %parallel_loop3A_213 : i32
      %parallel_loop3A_215 = arith.addi %mul3A_2, %parallel_loop3A_214 : i32
      %parallel_loop3A_216 = arith.constant 13 : i32
      %parallel_loop3A_217 = arith.addi %parallel_loop3A_215, %parallel_loop3A_216 : i32
      %parallel_loop3A_218 = arith.constant 512 : i32
      %parallel_loop3A_219 = arith.muli %parallel_loop3A_217, %parallel_loop3A_218 : i32
      %parallel_loop3A_220 = tpu.memref_slice %arg5[%parallel_loop3A_212] : memref<65536xf32, #tpu.memory_space<vmem>> -> memref<512xf32, #tpu.memory_space<vmem>>
      %parallel_loop3A_221 = tpu.memref_slice %arg4[%parallel_loop3A_219] : memref<104857600xf32, #tpu.memory_space<hbm>> -> memref<512xf32, #tpu.memory_space<hbm>>
      %parallel_loop3A_222 = tpu.memref_slice %arg4[%parallel_loop3A_219] : memref<104857600xf32, #tpu.memory_space<hbm>> -> memref<512xf32, #tpu.memory_space<hbm>>
      %parallel_loop3A_223 = tpu.memref_slice %arg5[%parallel_loop3A_212] : memref<65536xf32, #tpu.memory_space<vmem>> -> memref<512xf32, #tpu.memory_space<vmem>>
      tpu.enqueue_dma source(%parallel_loop3A_223 : memref<512xf32, #tpu.memory_space<vmem>>) target(%parallel_loop3A_222 : memref<512xf32, #tpu.memory_space<hbm>>) target_semaphore(%arg7 : memref<!tpu.dma_semaphore, #tpu.memory_space<semaphore_mem>>)
      %parallel_loop3A_224 = vector.extract_strided_slice %parallel_loop3A_13 {offsets = [14], sizes = [1], strides = [1]} : vector<16xi32> to vector<1xi32>
      %parallel_loop3A_225 = vector.extract %parallel_loop3A_224[0] : i32 from vector<1xi32>
      %parallel_loop3A_226 = arith.constant 512 : i32
      %parallel_loop3A_227 = arith.muli %parallel_loop3A_225, %parallel_loop3A_226 : i32
      %parallel_loop3A_228 = arith.constant 16 : i32
      %parallel_loop3A_229 = arith.muli %parallel_loop3A_9, %parallel_loop3A_228 : i32
      %parallel_loop3A_230 = arith.addi %mul3A_2, %parallel_loop3A_229 : i32
      %parallel_loop3A_231 = arith.constant 14 : i32
      %parallel_loop3A_232 = arith.addi %parallel_loop3A_230, %parallel_loop3A_231 : i32
      %parallel_loop3A_233 = arith.constant 512 : i32
      %parallel_loop3A_234 = arith.muli %parallel_loop3A_232, %parallel_loop3A_233 : i32
      %parallel_loop3A_235 = tpu.memref_slice %arg5[%parallel_loop3A_227] : memref<65536xf32, #tpu.memory_space<vmem>> -> memref<512xf32, #tpu.memory_space<vmem>>
      %parallel_loop3A_236 = tpu.memref_slice %arg4[%parallel_loop3A_234] : memref<104857600xf32, #tpu.memory_space<hbm>> -> memref<512xf32, #tpu.memory_space<hbm>>
      %parallel_loop3A_237 = tpu.memref_slice %arg4[%parallel_loop3A_234] : memref<104857600xf32, #tpu.memory_space<hbm>> -> memref<512xf32, #tpu.memory_space<hbm>>
      %parallel_loop3A_238 = tpu.memref_slice %arg5[%parallel_loop3A_227] : memref<65536xf32, #tpu.memory_space<vmem>> -> memref<512xf32, #tpu.memory_space<vmem>>
      tpu.enqueue_dma source(%parallel_loop3A_238 : memref<512xf32, #tpu.memory_space<vmem>>) target(%parallel_loop3A_237 : memref<512xf32, #tpu.memory_space<hbm>>) target_semaphore(%arg7 : memref<!tpu.dma_semaphore, #tpu.memory_space<semaphore_mem>>)
      %parallel_loop3A_239 = vector.extract_strided_slice %parallel_loop3A_13 {offsets = [15], sizes = [1], strides = [1]} : vector<16xi32> to vector<1xi32>
      %parallel_loop3A_240 = vector.extract %parallel_loop3A_239[0] : i32 from vector<1xi32>
      %parallel_loop3A_241 = arith.constant 512 : i32
      %parallel_loop3A_242 = arith.muli %parallel_loop3A_240, %parallel_loop3A_241 : i32
      %parallel_loop3A_243 = arith.constant 16 : i32
      %parallel_loop3A_244 = arith.muli %parallel_loop3A_9, %parallel_loop3A_243 : i32
      %parallel_loop3A_245 = arith.addi %mul3A_2, %parallel_loop3A_244 : i32
      %parallel_loop3A_246 = arith.constant 15 : i32
      %parallel_loop3A_247 = arith.addi %parallel_loop3A_245, %parallel_loop3A_246 : i32
      %parallel_loop3A_248 = arith.constant 512 : i32
      %parallel_loop3A_249 = arith.muli %parallel_loop3A_247, %parallel_loop3A_248 : i32
      %parallel_loop3A_250 = tpu.memref_slice %arg5[%parallel_loop3A_242] : memref<65536xf32, #tpu.memory_space<vmem>> -> memref<512xf32, #tpu.memory_space<vmem>>
      %parallel_loop3A_251 = tpu.memref_slice %arg4[%parallel_loop3A_249] : memref<104857600xf32, #tpu.memory_space<hbm>> -> memref<512xf32, #tpu.memory_space<hbm>>
      %parallel_loop3A_252 = tpu.memref_slice %arg4[%parallel_loop3A_249] : memref<104857600xf32, #tpu.memory_space<hbm>> -> memref<512xf32, #tpu.memory_space<hbm>>
      %parallel_loop3A_253 = tpu.memref_slice %arg5[%parallel_loop3A_242] : memref<65536xf32, #tpu.memory_space<vmem>> -> memref<512xf32, #tpu.memory_space<vmem>>
      tpu.enqueue_dma source(%parallel_loop3A_253 : memref<512xf32, #tpu.memory_space<vmem>>) target(%parallel_loop3A_252 : memref<512xf32, #tpu.memory_space<hbm>>) target_semaphore(%arg7 : memref<!tpu.dma_semaphore, #tpu.memory_space<semaphore_mem>>)
    } {sc.loop_unroll_factor = 1 : i64, sc.parallel_access}
    %scan3A = arith.constant 0 : i32
    %scan3A_5 = arith.constant 100 : i32
    %scan3A_6 = arith.addi %scan3A, %scan3A_5 : i32
    %scan3A_7 = arith.constant 1 : i32
    scf.for %scan3A_9 = %scan3A to %scan3A_6 step %scan3A_7  : i32 {
      %mul3A_10 = arith.constant 1 : i32
      %mul3A_11 = arith.muli %scan3A_9, %mul3A_10 : i32
      %add3A_12 = arith.constant 0 : i32
      %add3A_13 = arith.addi %add3A_12, %mul3A_11 : i32
      %mul3A_14 = arith.constant 64 : i32
      %mul3A_15 = arith.muli %add3A_13, %mul3A_14 : i32
      %add3A_16 = arith.addi %mul3A_2, %mul3A_15 : i32
      %mul3A_17 = arith.constant 512 : i32
      %mul3A_18 = arith.muli %add3A_16, %mul3A_17 : i32
      %dma_wait3A = arith.constant 0 : i32
      %dma_wait3A_19 = tpu.memref_slice %arg5[%dma_wait3A] : memref<65536xf32, #tpu.memory_space<vmem>> -> memref<32768xf32, #tpu.memory_space<vmem>>
      %dma_wait3A_20 = tpu.memref_slice %arg4[%mul3A_18] : memref<104857600xf32, #tpu.memory_space<hbm>> -> memref<32768xf32, #tpu.memory_space<hbm>>
      %dma_wait3A_21 = tpu.memref_slice %arg4[%mul3A_18] : memref<104857600xf32, #tpu.memory_space<hbm>> -> memref<32768xf32, #tpu.memory_space<hbm>>
      %dma_wait3A_22 = arith.constant 0 : i32
      %dma_wait3A_23 = tpu.memref_slice %arg5[%dma_wait3A_22] : memref<65536xf32, #tpu.memory_space<vmem>> -> memref<32768xf32, #tpu.memory_space<vmem>>
      tpu.wait_dma2 semaphore(%arg7 : memref<!tpu.dma_semaphore, #tpu.memory_space<semaphore_mem>>) src(%dma_wait3A_23 : memref<32768xf32, #tpu.memory_space<vmem>>) dst(%dma_wait3A_21 : memref<32768xf32, #tpu.memory_space<hbm>>)
    }
    %scan3A_8 = arith.constant 100 : i32
    return
  }
}

module attributes {stable_mosaic.version = 14 : i64} {
  func.func @_build_table_body(%arg0: memref<128x1xi32, #tpu.memory_space<vmem>>, %arg1: memref<128x1xi32, #tpu.memory_space<vmem>>, %arg2: memref<16x128xf32, #tpu.memory_space<vmem>>, %arg3: memref<16x128xf32, #tpu.memory_space<vmem>>, %arg4: memref<256x512xf32, #tpu.memory_space<vmem>>, %arg5: memref<128x512xf32, #tpu.memory_space<vmem>>) attributes {dimension_semantics = [], scalar_prefetch = 0 : i64, scratch_operands = 0 : i64, tpu.core_type = #tpu.core_type<tc>} {
    %get3A = arith.constant 0 : index
    %get3A_0 = arith.constant 0 : index
    %get3A_1 = vector.load %arg0[%get3A, %get3A_0] : memref<128x1xi32, #tpu.memory_space<vmem>>, vector<128x1xi32>
    %get3A_2 = arith.constant 0 : index
    %get3A_3 = arith.constant 0 : index
    %get3A_4 = vector.load %arg1[%get3A_2, %get3A_3] : memref<128x1xi32, #tpu.memory_space<vmem>>, vector<128x1xi32>
    %iota3A = tpu.iota {dimensions = array<i32: 1>} : vector<128x16xi32>
    %eq3A = vector.broadcast %get3A_1 : vector<128x1xi32> to vector<128x16xi32>
    %eq3A_5 = arith.cmpi eq, %eq3A, %iota3A : vector<128x16xi32>
    %convert_element_type3A = arith.extui %eq3A_5 : vector<128x16xi1> to vector<128x16xi32>
    %convert_element_type3A_6 = arith.sitofp %convert_element_type3A : vector<128x16xi32> to vector<128x16xf32>
    %eq3A_7 = vector.broadcast %get3A_4 : vector<128x1xi32> to vector<128x16xi32>
    %eq3A_8 = arith.cmpi eq, %eq3A_7, %iota3A : vector<128x16xi32>
    %convert_element_type3A_9 = arith.extui %eq3A_8 : vector<128x16xi1> to vector<128x16xi32>
    %convert_element_type3A_10 = arith.sitofp %convert_element_type3A_9 : vector<128x16xi32> to vector<128x16xf32>
    %get3A_11 = arith.constant 0 : index
    %get3A_12 = arith.constant 0 : index
    %get3A_13 = vector.load %arg2[%get3A_11, %get3A_12] : memref<16x128xf32, #tpu.memory_space<vmem>>, vector<16x128xf32>
    %dot_general3A = arith.constant dense<0.000000e+00> : vector<128x128xf32>
    %dot_general3A_14 = tpu.matmul %convert_element_type3A_6, %get3A_13, %dot_general3A {dimension_numbers = #tpu.dot_dimension_numbers<[1], [0], [0], [1], [0, 0, 1, 1], [], []>, transpose_lhs_hint = false} : vector<128x16xf32>, vector<16x128xf32>, vector<128x128xf32> -> vector<128x128xf32>
    %get3A_15 = arith.constant 0 : index
    %get3A_16 = arith.constant 0 : index
    %get3A_17 = vector.load %arg3[%get3A_15, %get3A_16] : memref<16x128xf32, #tpu.memory_space<vmem>>, vector<16x128xf32>
    %dot_general3A_18 = arith.constant dense<0.000000e+00> : vector<128x128xf32>
    %dot_general3A_19 = tpu.matmul %convert_element_type3A_10, %get3A_17, %dot_general3A_18 {dimension_numbers = #tpu.dot_dimension_numbers<[1], [0], [0], [1], [0, 0, 1, 1], [], []>, transpose_lhs_hint = false} : vector<128x16xf32>, vector<16x128xf32>, vector<128x128xf32> -> vector<128x128xf32>
    %concatenate3A = tpu.concatenate %dot_general3A_14, %dot_general3A_19 in 1 : vector<128x128xf32>, vector<128x128xf32> -> vector<128x256xf32>
    %get3A_20 = arith.constant 0 : index
    %get3A_21 = arith.constant 0 : index
    %get3A_22 = vector.load %arg4[%get3A_20, %get3A_21] : memref<256x512xf32, #tpu.memory_space<vmem>>, vector<256x512xf32>
    %dot_general3A_23 = arith.constant dense<0.000000e+00> : vector<128x512xf32>
    %dot_general3A_24 = tpu.matmul %concatenate3A, %get3A_22, %dot_general3A_23 {dimension_numbers = #tpu.dot_dimension_numbers<[1], [0], [0], [1], [0, 0, 1, 1], [], []>, transpose_lhs_hint = false} : vector<128x256xf32>, vector<256x512xf32>, vector<128x512xf32> -> vector<128x512xf32>
    %mul3A = arith.constant 22.6274166 : f32
    %mul3A_25 = vector.broadcast %mul3A : f32 to vector<128x512xf32>
    %mul3A_26 = arith.mulf %dot_general3A_24, %mul3A_25 : vector<128x512xf32>
    %swap3A = arith.constant 0 : index
    %swap3A_27 = arith.constant 0 : index
    %swap3A_28 = vector.load %arg5[%swap3A, %swap3A_27] : memref<128x512xf32, #tpu.memory_space<vmem>>, vector<128x512xf32>
    tpu.vector_store %arg5[%swap3A, %swap3A_27], %mul3A_26 {strides = array<i32>} : memref<128x512xf32, #tpu.memory_space<vmem>>, vector<128x512xf32>,
    return
  }
}

</mosaic_0001>

<sc_bundles>
// kernel: kernel.4.cloned.1.call-start
scs
__scs_entry_jumppad:
0x0: {  	(pc) =	sbr.rel $0x88, $3  }
0x1: {  	(tag) =	ssettag $0x0;
	lr =	simm.s32 $0x1  }
0x2: {  	[smem:$0x3F9B] =	sst lr;
	_ =	strace $0xD0000000  }
0x3: {  	_ = 	snop  }
0x4: {  	_ = 	snop  }
0x5: {  	_ = 	snop  }
0x6: {  	_ = 	snop  }
0x7: {  	_ = 	snop  }
__scs_overlays_trampoline_lowered:
0x8: {  	[smem:$0x3FAA] =	sst s0  }
0x9: {  	[smem:$0x3FAB] =	sst s1  }
0xa: {  	[smem:$0x3FAC] =	sst s2  }
0xb: {  	[smem:$0x3FAD] =	sst s3  }
0xc: {  	[smem:$0x3FAE] =	sst s4  }
0xd: {  	[smem:$0x3FAF] =	sst s5  }
0xe: {  	[smem:$0x3FB0] =	sst s6  }
0xf: {  	[smem:$0x3FB1] =	sst s7  }
0x10: {  	[smem:$0x3FB2] =	sst s8  }
0x11: {  	[smem:$0x3FB3] =	sst s9;
	s0 =	simm.s32 @!p0 $0x0  }
0x12: {  	s1 =	sld [smem:$0x3F99];
	s0 =	simm.s32 @p0 $0x1  }
0x13: {  	[smem:$0x3FB4] =	sst s0;
	s0 =	simm.s32 @!p1 $0x0  }
0x14: {  	s2 =	sld [smem:$0x3F98];
	s0 =	simm.s32 @p1 $0x1  }
0x15: {  	[smem:$0x3FB5] =	sst s0;
	s0 =	simm.s32 @!p2 $0x0  }
0x16: {  	s3 =	sld [smem:$0x3FDB];
	s0 =	simm.s32 @p2 $0x1  }
0x17: {  	s4 =	simm.s32 $0x1BF5;
	[smem:$0x3FB7] =	sst s0  }
0x18: {  	s0 =	sld [smem:$0x3F9A];
	_ =	swait.ge [sflag:s4], $0x0  }
0x19: {  	s7 =	sld [smem:$0x3F9B]  }
0x1a: {  	s8 =	sadd.s32 $0xFFFFE003, lr  }
0x1b: {  	s9 =	sadd.s32 $0xFFFFFEF7, lr;
	s5 =	simm.s32 $0xFFFFFFFF;
	p2 =	slt.u32 s8, $0xFFFFF086  }
0x1c: {  	p1 =	slt.u32 s9, $0xF7A;
	s5 =	simm.s32 @!p2 $0x0  }
0x1d: {  	s5 =	simm.s32 @p1 $0x1;
	p0 =	seq.s32 s7, s2  }
0x1e: {  	s7 =	smul.u32 @!p0 $0xF7A, s2;
	p2 =	seq.s32 @!p0 s5, $0x0  }
0x1f: {  	s9 =	smul.u32 $0xF7A, s1;
	s8 =	simm.s32 @!p0 $0x1BF5;
	p2 =	por !p2, p0  }
0x20: {  	[sflag:s8] =	ssyncset.s32 @!p0 $0xFFFFF086;
	s6 =	sadd.s32 @!p0 s3, s7;
	s7 =	simm.s32 @!p0 $0x108  }
0x21: {  	s3 =	sadd.s32 s3, s9;
	s6 =	sadd.s32 @!p0 $0x88, s6;
	s7 =	simm.s32 @p2 $0x1082  }
0x22: {  	[simem:s7], [sflag:s8] =	dma.local @!p0 [hbm:s6], $0xF7A  }
0x23: {  	s9 =	sor.u32 $0xD0000000, s2;
	s6 =	simm.s32 $0x108;
	_ =	swait.ge @!p0 [sflag:s8], $0x0  }
0x24: {  	s3 =	sadd.s32 $0x88, s3;
	s6 =	simm.s32 @!p1 $0x1082;
	[sflag:s4] =	ssyncset.s32 $0xFFFFF086  }
0x25: {  	[simem:s6], [sflag:s4] =	dma.local [hbm:s3], $0xF7A  }
0x26: {  	[smem:$0x3F9B] =	sst s1;
	(tag) =	ssettag s2;
	_ =	strace s9  }
0x27: {  	s1 =	sld [smem:$0x3FAB]  }
0x28: {  	s2 =	sld [smem:$0x3FAC]  }
0x29: {  	s4 =	sld [smem:$0x3FAE]  }
0x2a: {  	p0 =	seq.s32 s5, $0x0;
	s5 =	sld [smem:$0x3FAF]  }
0x2b: {  	s6 =	sld [smem:$0x3FB0]  }
0x2c: {  	s7 =	sld [smem:$0x3FB1]  }
0x2d: {  	s3 =	simm.s32 $0x108;
	s8 =	sld [smem:$0x3FB2]  }
0x2e: {  	s3 =	simm.s32 @!p0 $0x1082;
	s9 =	sld [smem:$0x3FB3]  }
0x2f: {  	lr =	sadd.s32 s0, s3;
	s0 =	sld [smem:$0x3FAA]  }
0x30: {  	s3 =	sld [smem:$0x3FAD]  }
0x31: {  	[smem:$0x3FB6] =	sst s10  }
0x32: {  	s10 =	sld [smem:$0x3FB4];
	_ =	sdelay $0x3  }
0x33: {  	p0 =	seq.s32 s10, $0x1;
	s10 =	sld [smem:$0x3FB6];
	_ =	sdelay $0x3  }
0x34: {  	[smem:$0x3FB6] =	sst s10  }
0x35: {  	s10 =	sld [smem:$0x3FB5];
	_ =	sdelay $0x3  }
0x36: {  	p1 =	seq.s32 s10, $0x1;
	s10 =	sld [smem:$0x3FB6];
	_ =	sdelay $0x3  }
0x37: {  	[smem:$0x3FB6] =	sst s10  }
0x38: {  	s10 =	sld [smem:$0x3FB7]  }
0x39: {  	_ = 	snop;
	(pc) =	sbr.ind lr, $3  }
0x3a: {  	_ = 	snop  }
0x3b: {  	_ = 	snop  }
0x3c: {  	p2 =	seq.s32 s10, $0x1;
	s10 =	sld [smem:$0x3FB6]  }
0x3d: {  	_ =	shalt  }
0x3e: {  	_ =	shalt  }
0x3f: {  	_ =	shalt  }
0x40: {  	_ =	shalt  }
0x41: {  	_ =	shalt  }
0x42: {  	_ =	shalt  }
0x43: {  	_ =	shalt  }
0x44: {  	_ =	shalt  }
0x45: {  	_ =	shalt  }
0x46: {  	_ =	shalt  }
0x47: {  	_ =	shalt  }
0x48: {  	_ =	shalt  }
0x49: {  	_ =	shalt  }
0x4a: {  	_ =	shalt  }
0x4b: {  	_ =	shalt  }
0x4c: {  	_ =	shalt  }
0x4d: {  	_ =	shalt  }
0x4e: {  	_ =	shalt  }
0x4f: {  	_ =	shalt  }
0x50: {  	_ =	shalt  }
0x51: {  	_ =	shalt  }
0x52: {  	_ =	shalt  }
0x53: {  	_ =	shalt  }
0x54: {  	_ =	shalt  }
0x55: {  	_ =	shalt  }
0x56: {  	_ =	shalt  }
0x57: {  	_ =	shalt  }
0x58: {  	_ =	shalt  }
0x59: {  	_ =	shalt  }
0x5a: {  	_ =	shalt  }
0x5b: {  	_ =	shalt  }
0x5c: {  	_ =	shalt  }
0x5d: {  	_ =	shalt  }
0x5e: {  	_ =	shalt  }
0x5f: {  	_ =	shalt  }
0x60: {  	_ =	shalt  }
0x61: {  	_ =	shalt  }
0x62: {  	_ =	shalt  }
0x63: {  	_ =	shalt  }
0x64: {  	_ =	shalt  }
0x65: {  	_ =	shalt  }
0x66: {  	_ =	shalt  }
0x67: {  	_ =	shalt  }
0x68: {  	_ =	shalt  }
0x69: {  	_ =	shalt  }
0x6a: {  	_ =	shalt  }
0x6b: {  	_ =	shalt  }
0x6c: {  	_ =	shalt  }
0x6d: {  	_ =	shalt  }
0x6e: {  	_ =	shalt  }
0x6f: {  	_ =	shalt  }
0x70: {  	_ =	shalt  }
0x71: {  	_ =	shalt  }
0x72: {  	_ =	shalt  }
0x73: {  	_ =	shalt  }
0x74: {  	_ =	shalt  }
0x75: {  	_ =	shalt  }
0x76: {  	_ =	shalt  }
0x77: {  	_ =	shalt  }
0x78: {  	_ =	shalt  }
0x79: {  	_ =	shalt  }
0x7a: {  	_ =	shalt  }
0x7b: {  	_ =	shalt  }
0x7c: {  	_ =	shalt  }
0x7d: {  	_ =	shalt  }
0x7e: {  	_ =	shalt  }
0x7f: {  	_ =	shalt  }
0x80: {  	_ =	shalt  }
0x81: {  	_ =	shalt  }
0x82: {  	_ =	shalt  }
0x83: {  	_ =	shalt  }
0x84: {  	_ =	shalt  }
0x85: {  	_ =	shalt  }
0x86: {  	_ =	shalt  }
0x87: {  	_ =	shalt  }
.Lfunc_end0:
.L_simem_size_0:
called_computation_lowered:
.L_overlay_start_0:
0x88: {  	s2 =	sld [smem:$0x3FD9]  }
0x89: {  	s3 =	sld [smem:$0x3FFE];
	_ =	sdelay $0x1  }
0x8a: {  	s1 =	srdreg.scid  }
0x8b: {  	s0 =	sand.u32 $0x1, s1  }
0x8c: {  	s17 =	sshll.u32 s0, $0xA;
	s2 =	sadd.s32 s3, s2  }
0x8d: {  	s2 =	sadd.s32 s2, s17  }
0x8e: {  	[smem:$0x3FC2] =	sst s2  }
0x8f: {  	_ = 	snop  }
0x90: {  	s2 =	sld [smem:$0x3FD0];
	(tm) =	ssettm $0x1  }
0x91: {  	s18 =	sld [smem:$0x3FFB];
	_ =	sdelay $0x3  }
0x92: {  	_ =	strace s18  }
0x93: {  	s3 =	sld [smem:$0x3FFC];
	_ =	sdelay $0x3  }
0x94: {  	_ =	strace s3  }
0x95: {  	s3 =	sld [smem:$0x3FFD];
	_ =	sdelay $0x3  }
0x96: {  	_ =	strace s3  }
0x97: {  	_ =	strace $0x8FFFFFFF  }
0x98: {  	s19 =	sld [smem:$0x3FDB];
	_ =	sdelay $0x1  }
0x99: {  	s4 =	simm.s32 $_scs_section_size  }
0x9a: {  	s5 =	simm.s32 $_size__tile_overlayer_lowered;
	s6 =	simm.s32 $_tile_overlayer_lowered  }
0x9b: {  	s22 =	simm.s32 $0x1BFF;
	s21 =	sshll.u32 s6, $0x1;
	s3 =	sadd.s32 s4, s19  }
0x9c: {  	s7 =	simm.s32 $0x0;
	s20 =	sshll.u32 s5, $0x1;
	s5 =	sadd.s32 s21, s3  }
0x9d: {  	[timem:s7], [sflag:s22] =	dma.local [hbm:s5], s20  }
0x9e: {  	_ =	swait.ge [sflag:s22], s20  }
0x9f: {  	s4 =	ssub.s32 $0x0, s20;
	[sflag:s22] =	ssyncset.done $0x0  }
0xa0: {  	[sflag:s22] =	ssyncadd.s32 s4;
	_ =	sdelay $0x1  }
0xa1: {  	s23 =	simm.s32 $0x1B8B  }
0xa2: {  	_ =	swait.ge [sflag:s23], $0x1  }
0xa3: {  	[sflag:s23] =	ssyncset.done $0x0  }
0xa4: {  	s25 =	simm.s32 $0x1B8E;
	s24 =	sld [smem:$0x3FFE];
	[sflag:s23] =	ssyncadd.s32 $0xFFFFFFFF  }
0xa5: {  	s26 =	simm.s32 $execute0_lowered;
	[smem:$0x3FD2] =	sst s25  }
0xa6: {  	s5 =	sshll.u32 s26, $0x1;
	_ =	strace $0x80000046;
	[dreg:$0x1] =	wrdreg $0xFFFFFFFF  }
0xa7: {  	s28 =	simm.s32 $_size_execute0_lowered;
	s3 =	sadd.s32 s3, s5;
	[dreg:$0x0] =	wrdreg $0x0  }
0xa8: {  	s5 =	sshll.u32 s28, $0x1;
	[dreg:$0x2] =	wrdreg s3  }
0xa9: {  	[dreg:$0x3] =	wrdreg s5  }
0xaa: {  	[dreg:$0x4] =	wrdreg $0xC0  }
0xab: {  	_ =	task [dreg:s7], $0x5FFFF  }
0xac: {  	[dreg:$0x1] =	wrdreg $0xFFFFFFFF  }
0xad: {  	[dreg:$0x0] =	wrdreg $0x60  }
0xae: {  	[dreg:$0x2] =	wrdreg s2  }
0xaf: {  	[dreg:$0x3] =	wrdreg s24  }
0xb0: {  	[dreg:$0x4] =	wrdreg $0x9  }
0xb1: {  	_ =	task.clear_ibuf [dreg:s7], $0x5FFFF;
	_ =	strace $0x90000046  }
0xb2: {  	s29 =	simm.s32 $0x9;
	_ =	strace $0x80000048  }
0xb3: {  	_ =	swait.ge [sflag:s29], $0x1  }
0xb4: {  	[sflag:s29] =	ssyncadd.s32 $0xFFFFFFFF  }
0xb5: {  	_ =	strace $0x90000048  }
0xb6: {  	_ =	sfence  }
0xb7: {  	s30 =	sld [smem:$0x0];
	_ =	sdelay $0x2  }
0xb8: {  	s31 =	sshll.u32 s1, $0xD;
	s1 =	sshrl.u32 s1, $0x2  }
0xb9: {  	s3 =	sand.u32 $0x4000, s31;
	s1 =	sadd.s32 s1, s30  }
0xba: {  	s0 =	sor.u32 s3, s0;
	s1 =	sshll.u32 s1, $0x11  }
0xbb: {  	s0 =	sor.u32 s1, s0  }
0xbc: {  	s0 =	sadd.s32 $0x8F2B, s0  }
0xbd: {  	[sflag:s0] =	ssyncadd.remote.s32 $0x1  }
0xbe: {  	_ =	sfence.sel $0xFFFF  }
0xbf: {  	[dreg:$0x0] =	wrdreg $0xFFFFFFFF;
	(pc) =	sbr.abs _section_cstart, $3  }
0xc0: {  	[dreg:$0x1] =	wrdreg $0xFFFFFFFF  }
0xc1: {  	_ =	task.clear_ibuf [dreg:s7], $0x2FFFF;
	_ =	strace $0x9FFFFFFF  }
0xc2: {  	(tm) =	ssettm $0x7FFFFFFF  }
0xc3: {  	_ =	shalt  }
tec
execute0_lowered:
.L_overlay_start_1:
0x0: {  	(tag) =	ssettag $0x1  }
0x1: {  	s4 =	rddreg [dreg:$0x0]  }
0x2: {  	s3 =	rddreg [dreg:$0x1]  }
0x3: {  	s0 =	rddreg [dreg:$0x2];
	s2 =	simm.s32 $0x0;
	s1 =	stileid.u32  }
0x4: {  	s5 =	srdreg.scid;
	[smem:$0x7FF] =	sst s2  }
0x5: {  	s6 =	smul.u32 $0xC8000, s1;
	s5 =	sand.u32 $0x1, s5;
	s7 =	sshll.u32 s1, $0x1  }
0x6: {  	_ =	strace $0x80000047;
	s7 =	sor.u32 s5, s7;
	s8 =	smul.u32 $0x64000, s5  }
0x7: {  	s5 =	ssub.s32 $0x2, s5;
	s6 =	sadd.s32 s6, s3;
	s7 =	smul.u32 $0x1900, s7  }
0x8: {  	s3 =	sadd.s32 $0x600, s3;
	s31 =	sshrl.u32 s5, $0x1;
	s6 =	sadd.s32 s8, s6  }
0x9: {  	s5 =	ssub.s32 s5, s31;
	s8 =	simm.s32 $0x0;
	s7 =	sshrl.u32 s7, $0x3  }
0xa: {  	s6 =	sadd.s32 $0x2600, s6;
	s5 =	smax.u32 s5, $0x1;
	s4 =	sadd.s32 s4, s7  }
0xb: {  	[dreg:$0x3] =	wrdreg s6;
	s6 =	simm.s32 $0x2;
	s7 =	simm.s32 $0x1  }
.LBB2_1:
0xc: {  	[tilespmem:s2], [sflag:$0x2] =	stream.linear.gather [hbm4b:s3+s2], $0x10000, $0x38;
	[tilespmem:$0x11900] =	vst v63  }
0xd: {  	_ =	swait.ge [sflag:s6], $0x10000  }
0xe: {  	[sflag:s6] =	ssyncset.done $0x0  }
0xf: {  	s9 =	simm.s32 $0x10000;
	[sflag:s6] =	ssyncadd.s32 $0xFFFF0000  }
0x10: {  	[tilespmem:s9], [sflag:$0x2] =	stream.linear.gather [hbm4b:s4+s2], $0x1900, $0x38;
	[tilespmem:$0x11900] =	vst v63  }
0x11: {  	_ =	swait.ge [sflag:s6], $0x1900  }
0x12: {  	[sflag:s6] =	ssyncset.done $0x0  }
0x13: {  	[sflag:s6] =	ssyncadd.s32 $0xFFFFE700  }
0x14: {  	v0 =	vld [tilespmem:s9+$0x0];
	_ =	sdelay $0x4  }
0x15: {  	v0 =	vshll.u32 v0, $0xB  }
0x16: {  	v0 =	vshra.s32 v0, $0x2  }
0x17: {  	(v2sf) =	vpush v0, $0x0;
	_ =	sdelay $0x1  }
0x18: {  	(v2sf) =	vpush v0, $0x1;
	_ =	sdelay $0x1  }
0x19: {  	(v2sf) =	vpush v0, $0x2;
	_ =	sdelay $0x1  }
0x1a: {  	(v2sf) =	vpush v0, $0x3;
	_ =	sdelay $0x1  }
0x1b: {  	(v2sf) =	vpush v0, $0x4;
	_ =	sdelay $0x1  }
0x1c: {  	(v2sf) =	vpush v0, $0x5;
	_ =	sdelay $0x1  }
0x1d: {  	(v2sf) =	vpush v0, $0x6;
	_ =	sdelay $0x1  }
0x1e: {  	s22 =	rddreg [dreg:$0x3];
	(v2sf) =	vpush v0, $0x7  }
0x1f: {  	s12 =	sadd.s32 $0x0, s22;
	s23 =	spop (v2sf)  }
0x20: {  	(v2sf) =	vpush v0, $0x8;
	[hbm4b:s12+s2] =	stream.linear.scatter [tilespmem:s23], [sflag:$0x1], $0x200, $0x38;
	[tilespmem:$0x11900] =	vst v63  }
0x21: {  	s24 =	sadd.s32 $0x40, s12;
	s10 =	spop (v2sf);
	(v2sf) =	vpush v0, $0x9  }
0x22: {  	[hbm4b:s24+s2] =	stream.linear.scatter [tilespmem:s10], [sflag:$0x1], $0x200, $0x38;
	[tilespmem:$0x11900] =	vst v63  }
0x23: {  	s25 =	sadd.s32 $0x80, s12;
	s26 =	spop (v2sf);
	(v2sf) =	vpush v0, $0xA  }
0x24: {  	[hbm4b:s25+s2] =	stream.linear.scatter [tilespmem:s26], [sflag:$0x1], $0x200, $0x38;
	[tilespmem:$0x11900] =	vst v63  }
0x25: {  	s28 =	sadd.s32 $0xC0, s12;
	s29 =	spop (v2sf);
	(v2sf) =	vpush v0, $0xB  }
0x26: {  	[hbm4b:s28+s2] =	stream.linear.scatter [tilespmem:s29], [sflag:$0x1], $0x200, $0x38;
	[tilespmem:$0x11900] =	vst v63  }
0x27: {  	s30 =	sadd.s32 $0x100, s12;
	s31 =	spop (v2sf);
	(v2sf) =	vpush v0, $0xC  }
0x28: {  	[hbm4b:s30+s2] =	stream.linear.scatter [tilespmem:s31], [sflag:$0x1], $0x200, $0x38;
	[tilespmem:$0x11900] =	vst v63  }
0x29: {  	s11 =	sadd.s32 $0x140, s12;
	s13 =	spop (v2sf);
	(v2sf) =	vpush v0, $0xD  }
0x2a: {  	[hbm4b:s11+s2] =	stream.linear.scatter [tilespmem:s13], [sflag:$0x1], $0x200, $0x38;
	[tilespmem:$0x11900] =	vst v63  }
0x2b: {  	s14 =	sadd.s32 $0x180, s12;
	s15 =	spop (v2sf);
	(v2sf) =	vpush v0, $0xE  }
0x2c: {  	[hbm4b:s14+s2] =	stream.linear.scatter [tilespmem:s15], [sflag:$0x1], $0x200, $0x38;
	[tilespmem:$0x11900] =	vst v63  }
0x2d: {  	s16 =	sadd.s32 $0x1C0, s12;
	s17 =	spop (v2sf);
	(v2sf) =	vpush v0, $0xF  }
0x2e: {  	[hbm4b:s16+s2] =	stream.linear.scatter [tilespmem:s17], [sflag:$0x1], $0x200, $0x38;
	[tilespmem:$0x11900] =	vst v63  }
0x2f: {  	s9 =	simm.s32 $0x10010;
	s11 =	spop (v2sf)  }
0x30: {  	s18 =	sadd.s32 $0x200, s12;
	v0 =	vld [tilespmem:s9+$0x0];
	s20 =	spop (v2sf)  }
0x31: {  	[hbm4b:s18+s2] =	stream.linear.scatter [tilespmem:s11], [sflag:$0x1], $0x200, $0x38;
	[tilespmem:$0x11900] =	vst v63  }
0x32: {  	s19 =	sadd.s32 $0x240, s12;
	s22 =	spop (v2sf)  }
0x33: {  	[hbm4b:s19+s2] =	stream.linear.scatter [tilespmem:s20], [sflag:$0x1], $0x200, $0x38;
	[tilespmem:$0x11900] =	vst v63  }
0x34: {  	s21 =	sadd.s32 $0x280, s12;
	s24 =	spop (v2sf)  }
0x35: {  	v0 =	vshll.u32 v0, $0xB;
	[hbm4b:s21+s2] =	stream.linear.scatter [tilespmem:s22], [sflag:$0x1], $0x200, $0x38;
	[tilespmem:$0x11900] =	vst v63  }
0x36: {  	s23 =	sadd.s32 $0x2C0, s12;
	s10 =	simm.s32 $0x800;
	v0 =	vshra.s32 v0, $0x2;
	s26 =	spop (v2sf)  }
0x37: {  	(v2sf) =	vpush v0, $0x0;
	[hbm4b:s23+s2] =	stream.linear.scatter [tilespmem:s24], [sflag:$0x1], $0x200, $0x38;
	[tilespmem:$0x11900] =	vst v63  }
0x38: {  	s25 =	sadd.s32 $0x300, s12;
	s28 =	sadd.s32 $0x340, s12;
	(v2sf) =	vpush v0, $0x1;
	s29 =	spop (v2sf)  }
0x39: {  	(v2sf) =	vpush v0, $0x2;
	[hbm4b:s25+s2] =	stream.linear.scatter [tilespmem:s26], [sflag:$0x1], $0x200, $0x38;
	[tilespmem:$0x11900] =	vst v63  }
0x3a: {  	s30 =	sadd.s32 $0x380, s12;
	s12 =	sadd.s32 $0x3C0, s12;
	(v2sf) =	vpush v0, $0x3;
	s31 =	spop (v2sf)  }
0x3b: {  	(v2sf) =	vpush v0, $0x4;
	[hbm4b:s28+s2] =	stream.linear.scatter [tilespmem:s29], [sflag:$0x1], $0x200, $0x38;
	[tilespmem:$0x11900] =	vst v63  }
0x3c: {  	s13 =	rddreg [dreg:$0x3];
	s11 =	simm.s32 $0x400;
	(v2sf) =	vpush v0, $0x5;
	s14 =	spop (v2sf)  }
0x3d: {  	(v2sf) =	vpush v0, $0x6;
	[hbm4b:s30+s2] =	stream.linear.scatter [tilespmem:s31], [sflag:$0x1], $0x200, $0x38;
	[tilespmem:$0x11900] =	vst v63  }
.LBB2_2:
0x3e: {  	_ =	sdelay $0x6  }
0x3f: {  	(v2sf) =	vpush v0, $0x7;
	[hbm4b:s12+s2] =	stream.linear.scatter [tilespmem:s14], [sflag:$0x1], $0x200, $0x38;
	[tilespmem:$0x11900] =	vst v63  }
0x40: {  	s12 =	sadd.s32 s11, s13;
	s19 =	spop (v2sf)  }
0x41: {  	(v2sf) =	vpush v0, $0x8;
	[hbm4b:s12+s2] =	stream.linear.scatter [tilespmem:s19], [sflag:$0x1], $0x200, $0x38;
	[tilespmem:$0x11900] =	vst v63  }
0x42: {  	s20 =	sadd.s32 $0x40, s12;
	s21 =	spop (v2sf)  }
0x43: {  	(v2sf) =	vpush v0, $0x9;
	[hbm4b:s20+s2] =	stream.linear.scatter [tilespmem:s21], [sflag:$0x1], $0x200, $0x38;
	[tilespmem:$0x11900] =	vst v63  }
0x44: {  	s22 =	sadd.s32 $0x80, s12;
	s15 =	spop (v2sf)  }
0x45: {  	(v2sf) =	vpush v0, $0xA;
	[hbm4b:s22+s2] =	stream.linear.scatter [tilespmem:s15], [sflag:$0x1], $0x200, $0x38;
	[tilespmem:$0x11900] =	vst v63  }
0x46: {  	s23 =	sadd.s32 $0xC0, s12;
	s24 =	spop (v2sf)  }
0x47: {  	(v2sf) =	vpush v0, $0xB;
	[hbm4b:s23+s2] =	stream.linear.scatter [tilespmem:s24], [sflag:$0x1], $0x200, $0x38;
	[tilespmem:$0x11900] =	vst v63  }
0x48: {  	s25 =	sadd.s32 $0x100, s12;
	s26 =	spop (v2sf)  }
0x49: {  	(v2sf) =	vpush v0, $0xC;
	[hbm4b:s25+s2] =	stream.linear.scatter [tilespmem:s26], [sflag:$0x1], $0x200, $0x38;
	[tilespmem:$0x11900] =	vst v63  }
0x4a: {  	s9 =	sadd.s32 $0x10, s9;
	s28 =	sadd.s32 $0x140, s12;
	s29 =	spop (v2sf)  }
0x4b: {  	(v2sf) =	vpush v0, $0xD;
	v1 =	vld [tilespmem:s9+$0x0];
	[hbm4b:s28+s2] =	stream.linear.scatter [tilespmem:s29], [sflag:$0x1], $0x200, $0x38  }
0x4c: {  	s30 =	sadd.s32 $0x180, s12;
	s31 =	spop (v2sf);
	(v2sf) =	vpush v0, $0xE  }
0x4d: {  	[hbm4b:s30+s2] =	stream.linear.scatter [tilespmem:s31], [sflag:$0x1], $0x200, $0x38;
	[tilespmem:$0x11900] =	vst v63  }
0x4e: {  	s18 =	smov.u32 s10;
	s15 =	sadd.s32 $0x1C0, s12;
	s16 =	spop (v2sf);
	(v2sf) =	vpush v0, $0xF  }
0x4f: {  	[hbm4b:s15+s2] =	stream.linear.scatter [tilespmem:s16], [sflag:$0x1], $0x200, $0x38;
	[tilespmem:$0x11900] =	vst v63  }
0x50: {  	s11 =	smov.u32 s18;
	s17 =	sadd.s32 $0x200, s12;
	s18 =	spop (v2sf)  }
0x51: {  	[hbm4b:s17+s2] =	stream.linear.scatter [tilespmem:s18], [sflag:$0x1], $0x200, $0x38;
	[tilespmem:$0x11900] =	vst v63  }
0x52: {  	s19 =	sadd.s32 $0x240, s12;
	s20 =	spop (v2sf)  }
0x53: {  	[hbm4b:s19+s2] =	stream.linear.scatter [tilespmem:s20], [sflag:$0x1], $0x200, $0x38;
	[tilespmem:$0x11900] =	vst v63  }
0x54: {  	s21 =	sadd.s32 $0x280, s12;
	s22 =	spop (v2sf)  }
0x55: {  	[hbm4b:s21+s2] =	stream.linear.scatter [tilespmem:s22], [sflag:$0x1], $0x200, $0x38;
	[tilespmem:$0x11900] =	vst v63  }
0x56: {  	s23 =	sadd.s32 $0x2C0, s12;
	v1 =	vshll.u32 v1, $0xB;
	s24 =	spop (v2sf)  }
0x57: {  	v0 =	vshra.s32 v1, $0x2;
	[hbm4b:s23+s2] =	stream.linear.scatter [tilespmem:s24], [sflag:$0x1], $0x200, $0x38;
	[tilespmem:$0x11900] =	vst v63  }
0x58: {  	p0 =	sne.s32 s10, $0x63C00;
	s25 =	sadd.s32 $0x300, s12;
	(v2sf) =	vpush v0, $0x0;
	s26 =	spop (v2sf)  }
0x59: {  	(v2sf) =	vpush v0, $0x1;
	[hbm4b:s25+s2] =	stream.linear.scatter [tilespmem:s26], [sflag:$0x1], $0x200, $0x38;
	[tilespmem:$0x11900] =	vst v63  }
.Ltmp0:
0x5a: {  	s10 =	sadd.s32 $0x400, s10;
	(v2sf) =	vpush v0, $0x2;
	s29 =	spop (v2sf);
	(pc) =	sbr.rel @p0 .LBB2_2-.Ltmp0, $4  }
0x5b: {  	s13 =	rddreg [dreg:$0x3];
	s28 =	sadd.s32 $0x340, s12;
	(v2sf) =	vpush v0, $0x3;
	s31 =	spop (v2sf)  }
0x5c: {  	(v2sf) =	vpush v0, $0x4;
	[hbm4b:s28+s2] =	stream.linear.scatter [tilespmem:s29], [sflag:$0x1], $0x200, $0x38;
	[tilespmem:$0x11900] =	vst v63  }
0x5d: {  	s30 =	sadd.s32 $0x380, s12;
	s12 =	sadd.s32 $0x3C0, s12;
	(v2sf) =	vpush v0, $0x5;
	s14 =	spop (v2sf)  }
0x5e: {  	(v2sf) =	vpush v0, $0x6;
	[hbm4b:s30+s2] =	stream.linear.scatter [tilespmem:s31], [sflag:$0x1], $0x200, $0x38;
	[tilespmem:$0x11900] =	vst v63  }
0x5f: {  	_ =	sdelay $0x6  }
0x60: {  	(v2sf) =	vpush v0, $0x7;
	[hbm4b:s12+s2] =	stream.linear.scatter [tilespmem:s14], [sflag:$0x1], $0x200, $0x38;
	[tilespmem:$0x11900] =	vst v63  }
0x61: {  	s9 =	sadd.s32 s11, s13;
	s10 =	spop (v2sf)  }
0x62: {  	(v2sf) =	vpush v0, $0x8;
	[hbm4b:s9+s2] =	stream.linear.scatter [tilespmem:s10], [sflag:$0x1], $0x200, $0x38;
	[tilespmem:$0x11900] =	vst v63  }
0x63: {  	s21 =	sadd.s32 $0x40, s9;
	s22 =	spop (v2sf)  }
0x64: {  	(v2sf) =	vpush v0, $0x9;
	[hbm4b:s21+s2] =	stream.linear.scatter [tilespmem:s22], [sflag:$0x1], $0x200, $0x38;
	[tilespmem:$0x11900] =	vst v63  }
0x65: {  	s23 =	sadd.s32 $0x80, s9;
	s24 =	spop (v2sf)  }
0x66: {  	(v2sf) =	vpush v0, $0xA;
	[hbm4b:s23+s2] =	stream.linear.scatter [tilespmem:s24], [sflag:$0x1], $0x200, $0x38;
	[tilespmem:$0x11900] =	vst v63  }
0x67: {  	s25 =	sadd.s32 $0xC0, s9;
	s26 =	spop (v2sf)  }
0x68: {  	(v2sf) =	vpush v0, $0xB;
	[hbm4b:s25+s2] =	stream.linear.scatter [tilespmem:s26], [sflag:$0x1], $0x200, $0x38;
	[tilespmem:$0x11900] =	vst v63  }
0x69: {  	s28 =	sadd.s32 $0x100, s9;
	s29 =	spop (v2sf)  }
0x6a: {  	(v2sf) =	vpush v0, $0xC;
	[hbm4b:s28+s2] =	stream.linear.scatter [tilespmem:s29], [sflag:$0x1], $0x200, $0x38;
	[tilespmem:$0x11900] =	vst v63  }
0x6b: {  	s30 =	sadd.s32 $0x140, s9;
	s31 =	spop (v2sf)  }
0x6c: {  	(v2sf) =	vpush v0, $0xD;
	[hbm4b:s30+s2] =	stream.linear.scatter [tilespmem:s31], [sflag:$0x1], $0x200, $0x38;
	[tilespmem:$0x11900] =	vst v63  }
0x6d: {  	s12 =	sadd.s32 $0x180, s9;
	s13 =	spop (v2sf)  }
0x6e: {  	(v2sf) =	vpush v0, $0xE;
	[hbm4b:s12+s2] =	stream.linear.scatter [tilespmem:s13], [sflag:$0x1], $0x200, $0x38;
	[tilespmem:$0x11900] =	vst v63  }
0x6f: {  	s14 =	sadd.s32 $0x1C0, s9;
	s15 =	spop (v2sf)  }
0x70: {  	(v2sf) =	vpush v0, $0xF;
	[hbm4b:s14+s2] =	stream.linear.scatter [tilespmem:s15], [sflag:$0x1], $0x200, $0x38;
	[tilespmem:$0x11900] =	vst v63  }
0x71: {  	s16 =	sadd.s32 $0x200, s9;
	s17 =	spop (v2sf)  }
0x72: {  	[hbm4b:s16+s2] =	stream.linear.scatter [tilespmem:s17], [sflag:$0x1], $0x200, $0x38;
	[tilespmem:$0x11900] =	vst v63  }
0x73: {  	s18 =	sadd.s32 $0x240, s9;
	s19 =	spop (v2sf)  }
0x74: {  	[hbm4b:s18+s2] =	stream.linear.scatter [tilespmem:s19], [sflag:$0x1], $0x200, $0x38;
	[tilespmem:$0x11900] =	vst v63  }
0x75: {  	s20 =	sadd.s32 $0x280, s9;
	s21 =	spop (v2sf)  }
0x76: {  	[hbm4b:s20+s2] =	stream.linear.scatter [tilespmem:s21], [sflag:$0x1], $0x200, $0x38;
	[tilespmem:$0x11900] =	vst v63  }
0x77: {  	s22 =	sadd.s32 $0x2C0, s9;
	s23 =	spop (v2sf)  }
0x78: {  	[hbm4b:s22+s2] =	stream.linear.scatter [tilespmem:s23], [sflag:$0x1], $0x200, $0x38;
	[tilespmem:$0x11900] =	vst v63  }
0x79: {  	s24 =	sadd.s32 $0x300, s9;
	s25 =	spop (v2sf)  }
0x7a: {  	[hbm4b:s24+s2] =	stream.linear.scatter [tilespmem:s25], [sflag:$0x1], $0x200, $0x38;
	[tilespmem:$0x11900] =	vst v63  }
0x7b: {  	s26 =	sadd.s32 $0x340, s9;
	s28 =	spop (v2sf)  }
0x7c: {  	[hbm4b:s26+s2] =	stream.linear.scatter [tilespmem:s28], [sflag:$0x1], $0x200, $0x38;
	[tilespmem:$0x11900] =	vst v63  }
0x7d: {  	s29 =	sadd.s32 $0x380, s9;
	s30 =	spop (v2sf)  }
0x7e: {  	[hbm4b:s29+s2] =	stream.linear.scatter [tilespmem:s30], [sflag:$0x1], $0x200, $0x38;
	[tilespmem:$0x11900] =	vst v63  }
0x7f: {  	s9 =	sadd.s32 $0x3C0, s9;
	s31 =	spop (v2sf)  }
0x80: {  	[hbm4b:s9+s2] =	stream.linear.scatter [tilespmem:s31], [sflag:$0x1], $0x200, $0x38;
	[tilespmem:$0x11900] =	vst v63  }
0x81: {  	_ =	swait.ge [sflag:s7], $0x8000  }
0x82: {  	s9 =	simm.s32 $0x63;
	[sflag:s7] =	ssyncset.done $0x0  }
.LBB2_4:
0x83: {  	p0 =	sne.s32 s9, $0x1;
	s9 =	sadd.s32 $0xFFFFFFFF, s9;
	[sflag:s7] =	ssyncadd.s32 $0xFFFF8000  }
.Ltmp1:
0x84: {  	(pc) =	sbr.rel @p0 .LBB2_4-.Ltmp1, $3  }
0x85: {  	_ =	sdelay $0x1  }
0x86: {  	_ =	swait.ge [sflag:s7], $0x8000  }
0x87: {  	[sflag:s7] =	ssyncset.done $0x0  }
0x88: {  	s8 =	sadd.s32 $0x1, s8  }
0x89: {  	p0 =	sne.s32 s8, s5  }
.Ltmp2:
0x8a: {  	_ = 	snop;
	(pc) =	sbr.rel @p0 .LBB2_1-.Ltmp2, $2  }
0x8b: {  	_ =	sdelay $0x2  }
0x8c: {  	[sflag:s7] =	ssyncadd.s32 $0xFFFF8000  }
0x8d: {  	_ =	sfence.sel $0x180000  }
0x8e: {  	[bflag:$0x0] =	sbarrier.arrive $0xFFFF  }
0x8f: {  	p0 =	sne.s32 s1, $0x0;
	_ =	strace $0x90000047  }
0x90: {  	s0 =	sadd.s32 @!p0 $0x100000, s0;
	[bflag:$0x2] =	sbarrier.arrive $0xFFFF  }
0x91: {  	[sflag:s0] =	ssyncadd.tile.s32 @!p0 $0x1;
	_ =	shalt  }
.Lfunc_end2:
_tile_overlayer_lowered:
.L_overlay_start_2:
0x92: {  	(tag) =	ssettag $0x2  }
0x93: {  	s0 =	rddreg [dreg:$0x0];
	s2 =	stileid.u32  }
0x94: {  	s1 =	rddreg [dreg:$0x1];
	p0 =	sne.s32 s2, $0x0  }
0x95: {  	s3 =	rddreg [dreg:$0x2];
	[bflag:$0x3] =	sbarrier.arrive $0xFFFF;
	s2 =	simm.s32 @!p0 $0x1C02  }
0x96: {  	[timem:s3], [sflag:s2] =	dma.local @!p0 [hbm:s0], s1  }
0x97: {  	s0 =	simm.s32 @!p0 $0x2  }
0x98: {  	_ =	swait.ge @!p0 [sflag:s0], s1  }
0x99: {  	s1 =	ssub.s32 @!p0 $0x0, s1;
	[sflag:s0] =	ssyncset.done @!p0 $0x0  }
0x9a: {  	[sflag:s0] =	ssyncadd.s32 @!p0 s1  }
0x9b: {  	[bflag:$0x3] =	sbarrier.arrive $0xFFFF  }
0x9c: {  	_ =	shalt  }

</sc_bundles>
